<compile_context>
chip_gen: v7x
topology: tpu7x:2x2x1
jax: 0.10.2.dev20260603
libtpu: 0.0.44.dev20260713+nightly
codegen_flags: <defaults>
</compile_context>

<pallas_src>
import functools

import jax
import jax.numpy as jnp
from jax import lax
from jax.experimental import pallas as pl
from jax.experimental.pallas import tpu as pltpu
from jax.experimental.pallas import tpu_sc as plsc

SEQ_LEN = 16384
_INFO = plsc.get_sparse_core_info()
NC = _INFO.num_cores
NS = _INFO.num_subcores
NW = NC * NS
B_PER_W = SEQ_LEN // NW
HALF = B_PER_W // 2
LANES = _INFO.num_lanes


def _sc_body(idx_hbm, kmer_hbm, site_hbm, out_hbm,
             idx0_v, idx1_v, rows_v, site_v, sem_i0, sem_i1, sem_s, sem_g0, sem_g1):
    wid = lax.axis_index("s") * NC + lax.axis_index("c")
    base = wid * B_PER_W
    i0 = pltpu.async_copy(idx_hbm.at[wid, 0], idx0_v, sem_i0)
    i1 = pltpu.async_copy(idx_hbm.at[wid, 1], idx1_v, sem_i1)
    s = pltpu.async_copy(site_hbm.at[pl.ds(base, B_PER_W)], site_v, sem_s)
    i0.wait()
    g0 = pltpu.async_copy(kmer_hbm.at[idx0_v], rows_v.at[pl.ds(0, HALF)], sem_g0)
    i1.wait()
    g1 = pltpu.async_copy(kmer_hbm.at[idx1_v], rows_v.at[pl.ds(HALF, HALF)], sem_g1)
    s.wait()

    def _add(i, carry):
        sl = pl.ds(i * LANES, LANES)
        rows_v[sl] = rows_v[sl] + site_v[sl]
        return carry

    g0.wait()
    lax.fori_loop(0, HALF // LANES, _add, 0, unroll=4)
    g1.wait()
    lax.fori_loop(HALF // LANES, B_PER_W // LANES, _add, 0, unroll=4)
    pltpu.sync_copy(rows_v, out_hbm.at[pl.ds(base, B_PER_W)])


@functools.partial(
    pl.kernel,
    out_type=jax.ShapeDtypeStruct((SEQ_LEN,), jnp.float32),
    mesh=plsc.VectorSubcoreMesh(core_axis_name="c", subcore_axis_name="s"),
    scratch_types=[
        pltpu.VMEM((HALF,), jnp.int32),
        pltpu.VMEM((HALF,), jnp.int32),
        pltpu.VMEM((B_PER_W,), jnp.float32),
        pltpu.VMEM((B_PER_W,), jnp.float32),
        pltpu.SemaphoreType.DMA,
        pltpu.SemaphoreType.DMA,
        pltpu.SemaphoreType.DMA,
        pltpu.SemaphoreType.DMA,
        pltpu.SemaphoreType.DMA,
    ],
)
def _sc_lookup(idx_hbm, kmer_hbm, site_hbm, out_hbm,
               idx0_v, idx1_v, rows_v, site_v, sem_i0, sem_i1, sem_s, sem_g0, sem_g1):
    _sc_body(idx_hbm, kmer_hbm, site_hbm, out_hbm,
             idx0_v, idx1_v, rows_v, site_v, sem_i0, sem_i1, sem_s, sem_g0, sem_g1)


@jax.jit
def kernel(encoded_parent, kmer_rates_weight, site_rates_weight):
    idx = encoded_parent.astype(jnp.int32).reshape(NW, 2, HALF)
    kmer = kmer_rates_weight.reshape(-1)
    site = site_rates_weight.reshape(-1)[:SEQ_LEN]
    return _sc_lookup(idx, kmer, site)

# --- scband reference (transcript-rebuilt; emitter-appended) ---
"""Pipeline reference for scband-shmoof-model-89962384982216 (READ-ONLY COPY).

The authoritative reference and input builder live on the scoring server;
editing this copy changes nothing except your own understanding.
"""

import jax, jax.numpy as jnp
import numpy as np

KMER_COUNT = 65536
SITE_COUNT = 16384
SEQ_LEN = 16384


def setup_inputs(seed: int = 0) -> dict:
    key = jax.random.key(seed)
    k1, k2, k3 = jax.random.split(key, 3)
    encoded_parent = jax.random.randint(k1, (SEQ_LEN,), 0, KMER_COUNT, dtype=jnp.int64 if jax.config.jax_enable_x64 else jnp.int32)
    # learned parameters: nn.Embedding(kmer_count, 1) and nn.Embedding(site_count, 1)
    kmer_rates_weight = jax.random.normal(k2, (KMER_COUNT, 1), dtype=jnp.float32)
    site_rates_weight = jax.random.normal(k3, (SITE_COUNT, 1), dtype=jnp.float32)
    return {
        "encoded_parent": encoded_parent,
        "kmer_rates_weight": kmer_rates_weight,
        "site_rates_weight": site_rates_weight,
    }


def reference(encoded_parent, kmer_rates_weight, site_rates_weight):
    # kmer_rates = self.kmer_rates(encoded_parent).squeeze()
    kmer_rates = jnp.take(kmer_rates_weight, encoded_parent, axis=0).squeeze(-1)
    # positions = torch.arange(encoded_parent.size(0))
    positions = jnp.arange(encoded_parent.shape[0])
    # site_rates = self.site_rates(positions).squeeze()
    site_rates = jnp.take(site_rates_weight, positions, axis=0).squeeze(-1)
    rates = kmer_rates + site_rates
    return rates

if __name__ == "__main__":
    import jax
    _d = setup_inputs()
    print(jax.jit(kernel)(*tuple(_d.values())))

</pallas_src>

<mosaic_0001>
#map = affine_map<(d0, d1) -> (0, 0, 0)>
#map1 = affine_map<(d0, d1) -> (0)>
module attributes {stable_mosaic.version = 14 : i64} {
  func.func @_sc_lookup(%arg0: i32, %arg1: i32, %arg2: memref<32x2x256xi32, #tpu.memory_space<hbm>>, %arg3: memref<65536xf32, #tpu.memory_space<hbm>>, %arg4: memref<16384xf32, #tpu.memory_space<hbm>>, %arg5: memref<16384xf32, #tpu.memory_space<hbm>>, %arg6: memref<256xi32, #tpu.memory_space<vmem>>, %arg7: memref<256xi32, #tpu.memory_space<vmem>>, %arg8: memref<512xf32, #tpu.memory_space<vmem>>, %arg9: memref<512xf32, #tpu.memory_space<vmem>>, %arg10: memref<!tpu.dma_semaphore, #tpu.memory_space<semaphore_mem>>, %arg11: memref<!tpu.dma_semaphore, #tpu.memory_space<semaphore_mem>>, %arg12: memref<!tpu.dma_semaphore, #tpu.memory_space<semaphore_mem>>, %arg13: memref<!tpu.dma_semaphore, #tpu.memory_space<semaphore_mem>>, %arg14: memref<!tpu.dma_semaphore, #tpu.memory_space<semaphore_mem>>) attributes {dimension_semantics = [#tpu.dimension_semantics<core_parallel>, #tpu.dimension_semantics<subcore_parallel>], iteration_bounds = array<i64: 2, 16>, scalar_prefetch = 0 : i64, scratch_operands = 9 : i64, tpu.core_type = #tpu.core_type<sc_vector_subcore>, window_params = [{transform_indices = #map}, {transform_indices = #map1}, {transform_indices = #map1}, {transform_indices = #map1}]} {
    %mul3A = arith.constant 2 : i32
    %mul3A_0 = arith.muli %arg1, %mul3A : i32
    %add3A = arith.addi %mul3A_0, %arg0 : i32
    %mul3A_1 = arith.constant 512 : i32
    %mul3A_2 = arith.muli %add3A, %mul3A_1 : i32
    %dma_start3A = arith.constant 0 : i32
    %dma_start3A_3 = arith.constant 0 : i32
    %dma_start3A_4 = tpu.memref_slice %arg2[%add3A, %dma_start3A, %dma_start3A_3] : memref<32x2x256xi32, #tpu.memory_space<hbm>> -> memref<1x1x256xi32, #tpu.memory_space<hbm>>
    %dma_start3A_5 = tpu.memref_squeeze %dma_start3A_4 : memref<1x1x256xi32, #tpu.memory_space<hbm>> -> memref<256xi32, #tpu.memory_space<hbm>>
    %dma_start3A_6 = arith.constant 0 : i32
    %dma_start3A_7 = tpu.memref_slice %arg2[%add3A, %dma_start3A, %dma_start3A_6] : memref<32x2x256xi32, #tpu.memory_space<hbm>> -> memref<1x1x256xi32, #tpu.memory_space<hbm>>
    %dma_start3A_8 = tpu.memref_squeeze %dma_start3A_7 : memref<1x1x256xi32, #tpu.memory_space<hbm>> -> memref<256xi32, #tpu.memory_space<hbm>>
    tpu.enqueue_dma source(%dma_start3A_8 : memref<256xi32, #tpu.memory_space<hbm>>) target(%arg6 : memref<256xi32, #tpu.memory_space<vmem>>) target_semaphore(%arg10 : memref<!tpu.dma_semaphore, #tpu.memory_space<semaphore_mem>>)
    %dma_start3A_9 = arith.constant 1 : i32
    %dma_start3A_10 = arith.constant 0 : i32
    %dma_start3A_11 = tpu.memref_slice %arg2[%add3A, %dma_start3A_9, %dma_start3A_10] : memref<32x2x256xi32, #tpu.memory_space<hbm>> -> memref<1x1x256xi32, #tpu.memory_space<hbm>>
    %dma_start3A_12 = tpu.memref_squeeze %dma_start3A_11 : memref<1x1x256xi32, #tpu.memory_space<hbm>> -> memref<256xi32, #tpu.memory_space<hbm>>
    %dma_start3A_13 = arith.constant 0 : i32
    %dma_start3A_14 = tpu.memref_slice %arg2[%add3A, %dma_start3A_9, %dma_start3A_13] : memref<32x2x256xi32, #tpu.memory_space<hbm>> -> memref<1x1x256xi32, #tpu.memory_space<hbm>>
    %dma_start3A_15 = tpu.memref_squeeze %dma_start3A_14 : memref<1x1x256xi32, #tpu.memory_space<hbm>> -> memref<256xi32, #tpu.memory_space<hbm>>
    tpu.enqueue_dma source(%dma_start3A_15 : memref<256xi32, #tpu.memory_space<hbm>>) target(%arg7 : memref<256xi32, #tpu.memory_space<vmem>>) target_semaphore(%arg11 : memref<!tpu.dma_semaphore, #tpu.memory_space<semaphore_mem>>)
    %dma_start3A_16 = tpu.memref_slice %arg4[%mul3A_2] : memref<16384xf32, #tpu.memory_space<hbm>> -> memref<512xf32, #tpu.memory_space<hbm>>
    %dma_start3A_17 = tpu.memref_slice %arg4[%mul3A_2] : memref<16384xf32, #tpu.memory_space<hbm>> -> memref<512xf32, #tpu.memory_space<hbm>>
    tpu.enqueue_dma source(%dma_start3A_17 : memref<512xf32, #tpu.memory_space<hbm>>) target(%arg9 : memref<512xf32, #tpu.memory_space<vmem>>) target_semaphore(%arg12 : memref<!tpu.dma_semaphore, #tpu.memory_space<semaphore_mem>>)
    %dma_wait3A = arith.constant 0 : i32
    %dma_wait3A_18 = arith.constant 0 : i32
    %dma_wait3A_19 = tpu.memref_slice %arg2[%add3A, %dma_wait3A, %dma_wait3A_18] : memref<32x2x256xi32, #tpu.memory_space<hbm>> -> memref<1x1x256xi32, #tpu.memory_space<hbm>>
    %dma_wait3A_20 = tpu.memref_squeeze %dma_wait3A_19 : memref<1x1x256xi32, #tpu.memory_space<hbm>> -> memref<256xi32, #tpu.memory_space<hbm>>
    %dma_wait3A_21 = arith.constant 0 : i32
    %dma_wait3A_22 = tpu.memref_slice %arg2[%add3A, %dma_wait3A, %dma_wait3A_21] : memref<32x2x256xi32, #tpu.memory_space<hbm>> -> memref<1x1x256xi32, #tpu.memory_space<hbm>>
    %dma_wait3A_23 = tpu.memref_squeeze %dma_wait3A_22 : memref<1x1x256xi32, #tpu.memory_space<hbm>> -> memref<256xi32, #tpu.memory_space<hbm>>
    tpu.wait_dma2 semaphore(%arg10 : memref<!tpu.dma_semaphore, #tpu.memory_space<semaphore_mem>>) src(%dma_wait3A_23 : memref<256xi32, #tpu.memory_space<hbm>>) dst(%arg6 : memref<256xi32, #tpu.memory_space<vmem>>)
    %dma_start3A_24 = arith.constant 0 : i32
    %dma_start3A_25 = tpu.memref_slice %arg8[%dma_start3A_24] : memref<512xf32, #tpu.memory_space<vmem>> -> memref<256xf32, #tpu.memory_space<vmem>>
    %dma_start3A_26 = arith.constant 0 : i32
    %dma_start3A_27 = tpu.memref_slice %arg3[%dma_start3A_26] : memref<65536xf32, #tpu.memory_space<hbm>> -> memref<65536xf32, #tpu.memory_space<hbm>>
    tpu.enqueue_indirect_dma source(%dma_start3A_27 : memref<65536xf32, #tpu.memory_space<hbm>>) target(%dma_start3A_25 : memref<256xf32, #tpu.memory_space<vmem>>) offsets(%arg6 : memref<256xi32, #tpu.memory_space<vmem>>) semaphore(%arg13 : memref<!tpu.dma_semaphore, #tpu.memory_space<semaphore_mem>>)
    %dma_wait3A_28 = arith.constant 1 : i32
    %dma_wait3A_29 = arith.constant 0 : i32
    %dma_wait3A_30 = tpu.memref_slice %arg2[%add3A, %dma_wait3A_28, %dma_wait3A_29] : memref<32x2x256xi32, #tpu.memory_space<hbm>> -> memref<1x1x256xi32, #tpu.memory_space<hbm>>
    %dma_wait3A_31 = tpu.memref_squeeze %dma_wait3A_30 : memref<1x1x256xi32, #tpu.memory_space<hbm>> -> memref<256xi32, #tpu.memory_space<hbm>>
    %dma_wait3A_32 = arith.constant 0 : i32
    %dma_wait3A_33 = tpu.memref_slice %arg2[%add3A, %dma_wait3A_28, %dma_wait3A_32] : memref<32x2x256xi32, #tpu.memory_space<hbm>> -> memref<1x1x256xi32, #tpu.memory_space<hbm>>
    %dma_wait3A_34 = tpu.memref_squeeze %dma_wait3A_33 : memref<1x1x256xi32, #tpu.memory_space<hbm>> -> memref<256xi32, #tpu.memory_space<hbm>>
    tpu.wait_dma2 semaphore(%arg11 : memref<!tpu.dma_semaphore, #tpu.memory_space<semaphore_mem>>) src(%dma_wait3A_34 : memref<256xi32, #tpu.memory_space<hbm>>) dst(%arg7 : memref<256xi32, #tpu.memory_space<vmem>>)
    %dma_start3A_35 = arith.constant 256 : i32
    %dma_start3A_36 = tpu.memref_slice %arg8[%dma_start3A_35] : memref<512xf32, #tpu.memory_space<vmem>> -> memref<256xf32, #tpu.memory_space<vmem>>
    %dma_start3A_37 = arith.constant 0 : i32
    %dma_start3A_38 = tpu.memref_slice %arg3[%dma_start3A_37] : memref<65536xf32, #tpu.memory_space<hbm>> -> memref<65536xf32, #tpu.memory_space<hbm>>
    tpu.enqueue_indirect_dma source(%dma_start3A_38 : memref<65536xf32, #tpu.memory_space<hbm>>) target(%dma_start3A_36 : memref<256xf32, #tpu.memory_space<vmem>>) offsets(%arg7 : memref<256xi32, #tpu.memory_space<vmem>>) semaphore(%arg14 : memref<!tpu.dma_semaphore, #tpu.memory_space<semaphore_mem>>)
    %dma_wait3A_39 = tpu.memref_slice %arg4[%mul3A_2] : memref<16384xf32, #tpu.memory_space<hbm>> -> memref<512xf32, #tpu.memory_space<hbm>>
    %dma_wait3A_40 = tpu.memref_slice %arg4[%mul3A_2] : memref<16384xf32, #tpu.memory_space<hbm>> -> memref<512xf32, #tpu.memory_space<hbm>>
    tpu.wait_dma2 semaphore(%arg12 : memref<!tpu.dma_semaphore, #tpu.memory_space<semaphore_mem>>) src(%dma_wait3A_40 : memref<512xf32, #tpu.memory_space<hbm>>) dst(%arg9 : memref<512xf32, #tpu.memory_space<vmem>>)
    %dma_wait3A_41 = arith.constant 0 : i32
    %dma_wait3A_42 = tpu.memref_slice %arg8[%dma_wait3A_41] : memref<512xf32, #tpu.memory_space<vmem>> -> memref<256xf32, #tpu.memory_space<vmem>>
    %dma_wait3A_43 = arith.constant 0 : i32
    %dma_wait3A_44 = tpu.memref_slice %arg3[%dma_wait3A_43] : memref<65536xf32, #tpu.memory_space<hbm>> -> memref<65536xf32, #tpu.memory_space<hbm>>
    tpu.wait_indirect_dma semaphore(%arg13 : memref<!tpu.dma_semaphore, #tpu.memory_space<semaphore_mem>>) src(%dma_wait3A_44 : memref<65536xf32, #tpu.memory_space<hbm>>) dst(%dma_wait3A_42 : memref<256xf32, #tpu.memory_space<vmem>>)
    %scan3A = arith.constant 0 : i32
    %scan3A_45 = arith.constant 0 : i32
    %scan3A_46 = arith.constant 16 : i32
    %scan3A_47 = arith.addi %scan3A_45, %scan3A_46 : i32
    %scan3A_48 = arith.constant 4 : i32
    scf.for %scan3A_60 = %scan3A_45 to %scan3A_47 step %scan3A_48  : i32 {
      %mul3A_61 = arith.constant 16 : i32
      %mul3A_62 = arith.muli %scan3A_60, %mul3A_61 : i32
      %get3A = arith.index_cast %mul3A_62 : i32 to index
      %get3A_63 = tpu.vector_load %arg8[%get3A] {strides = array<i32>} : memref<512xf32, #tpu.memory_space<vmem>>, vector<16xf32>,
      %get3A_64 = vector.shape_cast %get3A_63 : vector<16xf32> to vector<16xf32>
      %get3A_65 = arith.index_cast %mul3A_62 : i32 to index
      %get3A_66 = tpu.vector_load %arg9[%get3A_65] {strides = array<i32>} : memref<512xf32, #tpu.memory_space<vmem>>, vector<16xf32>,
      %get3A_67 = vector.shape_cast %get3A_66 : vector<16xf32> to vector<16xf32>
      %add3A_68 = arith.addf %get3A_64, %get3A_67 : vector<16xf32>
      %swap3A = arith.index_cast %mul3A_62 : i32 to index
      %swap3A_69 = tpu.vector_load %arg8[%swap3A] {strides = array<i32>} : memref<512xf32, #tpu.memory_space<vmem>>, vector<16xf32>,
      %swap3A_70 = vector.shape_cast %swap3A_69 : vector<16xf32> to vector<16xf32>
      %swap3A_71 = vector.shape_cast %add3A_68 : vector<16xf32> to vector<16xf32>
      tpu.vector_store %arg8[%swap3A], %swap3A_71 {strides = array<i32>} : memref<512xf32, #tpu.memory_space<vmem>>, vector<16xf32>,
      %scan3A_72 = arith.constant 1 : i32
      %scan3A_73 = arith.addi %scan3A_60, %scan3A_72 : i32
      %mul3A_74 = arith.constant 16 : i32
      %mul3A_75 = arith.muli %scan3A_73, %mul3A_74 : i32
      %get3A_76 = arith.index_cast %mul3A_75 : i32 to index
      %get3A_77 = tpu.vector_load %arg8[%get3A_76] {strides = array<i32>} : memref<512xf32, #tpu.memory_space<vmem>>, vector<16xf32>,
      %get3A_78 = vector.shape_cast %get3A_77 : vector<16xf32> to vector<16xf32>
      %get3A_79 = arith.index_cast %mul3A_75 : i32 to index
      %get3A_80 = tpu.vector_load %arg9[%get3A_79] {strides = array<i32>} : memref<512xf32, #tpu.memory_space<vmem>>, vector<16xf32>,
      %get3A_81 = vector.shape_cast %get3A_80 : vector<16xf32> to vector<16xf32>
      %add3A_82 = arith.addf %get3A_78, %get3A_81 : vector<16xf32>
      %swap3A_83 = arith.index_cast %mul3A_75 : i32 to index
      %swap3A_84 = tpu.vector_load %arg8[%swap3A_83] {strides = array<i32>} : memref<512xf32, #tpu.memory_space<vmem>>, vector<16xf32>,
      %swap3A_85 = vector.shape_cast %swap3A_84 : vector<16xf32> to vector<16xf32>
      %swap3A_86 = vector.shape_cast %add3A_82 : vector<16xf32> to vector<16xf32>
      tpu.vector_store %arg8[%swap3A_83], %swap3A_86 {strides = array<i32>} : memref<512xf32, #tpu.memory_space<vmem>>, vector<16xf32>,
      %scan3A_87 = arith.constant 2 : i32
      %scan3A_88 = arith.addi %scan3A_60, %scan3A_87 : i32
      %mul3A_89 = arith.constant 16 : i32
      %mul3A_90 = arith.muli %scan3A_88, %mul3A_89 : i32
      %get3A_91 = arith.index_cast %mul3A_90 : i32 to index
      %get3A_92 = tpu.vector_load %arg8[%get3A_91] {strides = array<i32>} : memref<512xf32, #tpu.memory_space<vmem>>, vector<16xf32>,
      %get3A_93 = vector.shape_cast %get3A_92 : vector<16xf32> to vector<16xf32>
      %get3A_94 = arith.index_cast %mul3A_90 : i32 to index
      %get3A_95 = tpu.vector_load %arg9[%get3A_94] {strides = array<i32>} : memref<512xf32, #tpu.memory_space<vmem>>, vector<16xf32>,
      %get3A_96 = vector.shape_cast %get3A_95 : vector<16xf32> to vector<16xf32>
      %add3A_97 = arith.addf %get3A_93, %get3A_96 : vector<16xf32>
      %swap3A_98 = arith.index_cast %mul3A_90 : i32 to index
      %swap3A_99 = tpu.vector_load %arg8[%swap3A_98] {strides = array<i32>} : memref<512xf32, #tpu.memory_space<vmem>>, vector<16xf32>,
      %swap3A_100 = vector.shape_cast %swap3A_99 : vector<16xf32> to vector<16xf32>
      %swap3A_101 = vector.shape_cast %add3A_97 : vector<16xf32> to vector<16xf32>
      tpu.vector_store %arg8[%swap3A_98], %swap3A_101 {strides = array<i32>} : memref<512xf32, #tpu.memory_space<vmem>>, vector<16xf32>,
      %scan3A_102 = arith.constant 3 : i32
      %scan3A_103 = arith.addi %scan3A_60, %scan3A_102 : i32
      %mul3A_104 = arith.constant 16 : i32
      %mul3A_105 = arith.muli %scan3A_103, %mul3A_104 : i32
      %get3A_106 = arith.index_cast %mul3A_105 : i32 to index
      %get3A_107 = tpu.vector_load %arg8[%get3A_106] {strides = array<i32>} : memref<512xf32, #tpu.memory_space<vmem>>, vector<16xf32>,
      %get3A_108 = vector.shape_cast %get3A_107 : vector<16xf32> to vector<16xf32>
      %get3A_109 = arith.index_cast %mul3A_105 : i32 to index
      %get3A_110 = tpu.vector_load %arg9[%get3A_109] {strides = array<i32>} : memref<512xf32, #tpu.memory_space<vmem>>, vector<16xf32>,
      %get3A_111 = vector.shape_cast %get3A_110 : vector<16xf32> to vector<16xf32>
      %add3A_112 = arith.addf %get3A_108, %get3A_111 : vector<16xf32>
      %swap3A_113 = arith.index_cast %mul3A_105 : i32 to index
      %swap3A_114 = tpu.vector_load %arg8[%swap3A_113] {strides = array<i32>} : memref<512xf32, #tpu.memory_space<vmem>>, vector<16xf32>,
      %swap3A_115 = vector.shape_cast %swap3A_114 : vector<16xf32> to vector<16xf32>
      %swap3A_116 = vector.shape_cast %add3A_112 : vector<16xf32> to vector<16xf32>
      tpu.vector_store %arg8[%swap3A_113], %swap3A_116 {strides = array<i32>} : memref<512xf32, #tpu.memory_space<vmem>>, vector<16xf32>,
    }
    %scan3A_49 = arith.constant 16 : i32
    %dma_wait3A_50 = arith.constant 256 : i32
    %dma_wait3A_51 = tpu.memref_slice %arg8[%dma_wait3A_50] : memref<512xf32, #tpu.memory_space<vmem>> -> memref<256xf32, #tpu.memory_space<vmem>>
    %dma_wait3A_52 = arith.constant 0 : i32
    %dma_wait3A_53 = tpu.memref_slice %arg3[%dma_wait3A_52] : memref<65536xf32, #tpu.memory_space<hbm>> -> memref<65536xf32, #tpu.memory_space<hbm>>
    tpu.wait_indirect_dma semaphore(%arg14 : memref<!tpu.dma_semaphore, #tpu.memory_space<semaphore_mem>>) src(%dma_wait3A_53 : memref<65536xf32, #tpu.memory_space<hbm>>) dst(%dma_wait3A_51 : memref<256xf32, #tpu.memory_space<vmem>>)
    %scan3A_54 = arith.constant 0 : i32
    %scan3A_55 = arith.constant 16 : i32
    %scan3A_56 = arith.constant 16 : i32
    %scan3A_57 = arith.addi %scan3A_55, %scan3A_56 : i32
    %scan3A_58 = arith.constant 4 : i32
    scf.for %scan3A_60 = %scan3A_55 to %scan3A_57 step %scan3A_58  : i32 {
      %mul3A_61 = arith.constant 16 : i32
      %mul3A_62 = arith.muli %scan3A_60, %mul3A_61 : i32
      %get3A = arith.index_cast %mul3A_62 : i32 to index
      %get3A_63 = tpu.vector_load %arg8[%get3A] {strides = array<i32>} : memref<512xf32, #tpu.memory_space<vmem>>, vector<16xf32>,
      %get3A_64 = vector.shape_cast %get3A_63 : vector<16xf32> to vector<16xf32>
      %get3A_65 = arith.index_cast %mul3A_62 : i32 to index
      %get3A_66 = tpu.vector_load %arg9[%get3A_65] {strides = array<i32>} : memref<512xf32, #tpu.memory_space<vmem>>, vector<16xf32>,
      %get3A_67 = vector.shape_cast %get3A_66 : vector<16xf32> to vector<16xf32>
      %add3A_68 = arith.addf %get3A_64, %get3A_67 : vector<16xf32>
      %swap3A = arith.index_cast %mul3A_62 : i32 to index
      %swap3A_69 = tpu.vector_load %arg8[%swap3A] {strides = array<i32>} : memref<512xf32, #tpu.memory_space<vmem>>, vector<16xf32>,
      %swap3A_70 = vector.shape_cast %swap3A_69 : vector<16xf32> to vector<16xf32>
      %swap3A_71 = vector.shape_cast %add3A_68 : vector<16xf32> to vector<16xf32>
      tpu.vector_store %arg8[%swap3A], %swap3A_71 {strides = array<i32>} : memref<512xf32, #tpu.memory_space<vmem>>, vector<16xf32>,
      %scan3A_72 = arith.constant 1 : i32
      %scan3A_73 = arith.addi %scan3A_60, %scan3A_72 : i32
      %mul3A_74 = arith.constant 16 : i32
      %mul3A_75 = arith.muli %scan3A_73, %mul3A_74 : i32
      %get3A_76 = arith.index_cast %mul3A_75 : i32 to index
      %get3A_77 = tpu.vector_load %arg8[%get3A_76] {strides = array<i32>} : memref<512xf32, #tpu.memory_space<vmem>>, vector<16xf32>,
      %get3A_78 = vector.shape_cast %get3A_77 : vector<16xf32> to vector<16xf32>
      %get3A_79 = arith.index_cast %mul3A_75 : i32 to index
      %get3A_80 = tpu.vector_load %arg9[%get3A_79] {strides = array<i32>} : memref<512xf32, #tpu.memory_space<vmem>>, vector<16xf32>,
      %get3A_81 = vector.shape_cast %get3A_80 : vector<16xf32> to vector<16xf32>
      %add3A_82 = arith.addf %get3A_78, %get3A_81 : vector<16xf32>
      %swap3A_83 = arith.index_cast %mul3A_75 : i32 to index
      %swap3A_84 = tpu.vector_load %arg8[%swap3A_83] {strides = array<i32>} : memref<512xf32, #tpu.memory_space<vmem>>, vector<16xf32>,
      %swap3A_85 = vector.shape_cast %swap3A_84 : vector<16xf32> to vector<16xf32>
      %swap3A_86 = vector.shape_cast %add3A_82 : vector<16xf32> to vector<16xf32>
      tpu.vector_store %arg8[%swap3A_83], %swap3A_86 {strides = array<i32>} : memref<512xf32, #tpu.memory_space<vmem>>, vector<16xf32>,
      %scan3A_87 = arith.constant 2 : i32
      %scan3A_88 = arith.addi %scan3A_60, %scan3A_87 : i32
      %mul3A_89 = arith.constant 16 : i32
      %mul3A_90 = arith.muli %scan3A_88, %mul3A_89 : i32
      %get3A_91 = arith.index_cast %mul3A_90 : i32 to index
      %get3A_92 = tpu.vector_load %arg8[%get3A_91] {strides = array<i32>} : memref<512xf32, #tpu.memory_space<vmem>>, vector<16xf32>,
      %get3A_93 = vector.shape_cast %get3A_92 : vector<16xf32> to vector<16xf32>
      %get3A_94 = arith.index_cast %mul3A_90 : i32 to index
      %get3A_95 = tpu.vector_load %arg9[%get3A_94] {strides = array<i32>} : memref<512xf32, #tpu.memory_space<vmem>>, vector<16xf32>,
      %get3A_96 = vector.shape_cast %get3A_95 : vector<16xf32> to vector<16xf32>
      %add3A_97 = arith.addf %get3A_93, %get3A_96 : vector<16xf32>
      %swap3A_98 = arith.index_cast %mul3A_90 : i32 to index
      %swap3A_99 = tpu.vector_load %arg8[%swap3A_98] {strides = array<i32>} : memref<512xf32, #tpu.memory_space<vmem>>, vector<16xf32>,
      %swap3A_100 = vector.shape_cast %swap3A_99 : vector<16xf32> to vector<16xf32>
      %swap3A_101 = vector.shape_cast %add3A_97 : vector<16xf32> to vector<16xf32>
      tpu.vector_store %arg8[%swap3A_98], %swap3A_101 {strides = array<i32>} : memref<512xf32, #tpu.memory_space<vmem>>, vector<16xf32>,
      %scan3A_102 = arith.constant 3 : i32
      %scan3A_103 = arith.addi %scan3A_60, %scan3A_102 : i32
      %mul3A_104 = arith.constant 16 : i32
      %mul3A_105 = arith.muli %scan3A_103, %mul3A_104 : i32
      %get3A_106 = arith.index_cast %mul3A_105 : i32 to index
      %get3A_107 = tpu.vector_load %arg8[%get3A_106] {strides = array<i32>} : memref<512xf32, #tpu.memory_space<vmem>>, vector<16xf32>,
      %get3A_108 = vector.shape_cast %get3A_107 : vector<16xf32> to vector<16xf32>
      %get3A_109 = arith.index_cast %mul3A_105 : i32 to index
      %get3A_110 = tpu.vector_load %arg9[%get3A_109] {strides = array<i32>} : memref<512xf32, #tpu.memory_space<vmem>>, vector<16xf32>,
      %get3A_111 = vector.shape_cast %get3A_110 : vector<16xf32> to vector<16xf32>
      %add3A_112 = arith.addf %get3A_108, %get3A_111 : vector<16xf32>
      %swap3A_113 = arith.index_cast %mul3A_105 : i32 to index
      %swap3A_114 = tpu.vector_load %arg8[%swap3A_113] {strides = array<i32>} : memref<512xf32, #tpu.memory_space<vmem>>, vector<16xf32>,
      %swap3A_115 = vector.shape_cast %swap3A_114 : vector<16xf32> to vector<16xf32>
      %swap3A_116 = vector.shape_cast %add3A_112 : vector<16xf32> to vector<16xf32>
      tpu.vector_store %arg8[%swap3A_113], %swap3A_116 {strides = array<i32>} : memref<512xf32, #tpu.memory_space<vmem>>, vector<16xf32>,
    }
    %scan3A_59 = arith.constant 16 : i32
    "tpu.region"() ({
      %run_scoped3A = tpu.sem_alloc : memref<!tpu.dma_semaphore, #tpu.memory_space<semaphore_mem>>
      %dma_start3A_60 = tpu.memref_slice %arg5[%mul3A_2] : memref<16384xf32, #tpu.memory_space<hbm>> -> memref<512xf32, #tpu.memory_space<hbm>>
      %dma_start3A_61 = tpu.memref_slice %arg5[%mul3A_2] : memref<16384xf32, #tpu.memory_space<hbm>> -> memref<512xf32, #tpu.memory_space<hbm>>
      tpu.enqueue_dma source(%arg8 : memref<512xf32, #tpu.memory_space<vmem>>) target(%dma_start3A_61 : memref<512xf32, #tpu.memory_space<hbm>>) target_semaphore(%run_scoped3A : memref<!tpu.dma_semaphore, #tpu.memory_space<semaphore_mem>>)
      %dma_wait3A_62 = tpu.memref_slice %arg5[%mul3A_2] : memref<16384xf32, #tpu.memory_space<hbm>> -> memref<512xf32, #tpu.memory_space<hbm>>
      %dma_wait3A_63 = tpu.memref_slice %arg5[%mul3A_2] : memref<16384xf32, #tpu.memory_space<hbm>> -> memref<512xf32, #tpu.memory_space<hbm>>
      tpu.wait_dma2 semaphore(%run_scoped3A : memref<!tpu.dma_semaphore, #tpu.memory_space<semaphore_mem>>) src(%arg8 : memref<512xf32, #tpu.memory_space<vmem>>) dst(%dma_wait3A_63 : memref<512xf32, #tpu.memory_space<hbm>>)
      tpu.yield
    }) : () -> ()
    return
  }
}

</mosaic_0001>

<sc_bundles>
// kernel: kernel.3.cloned.1.call-start
scs
__scs_entry_jumppad:
0x0: {  	(pc) =	sbr.rel $0x88, $3  }
0x1: {  	(tag) =	ssettag $0x0;
	lr =	simm.s32 $0x1  }
0x2: {  	[smem:$0x3F9E] =	sst lr;
	_ =	strace $0xD0000000  }
0x3: {  	_ = 	snop  }
0x4: {  	_ = 	snop  }
0x5: {  	_ = 	snop  }
0x6: {  	_ = 	snop  }
0x7: {  	_ = 	snop  }
__scs_overlays_trampoline_lowered:
0x8: {  	[smem:$0x3FAD] =	sst s0  }
0x9: {  	[smem:$0x3FAE] =	sst s1  }
0xa: {  	[smem:$0x3FAF] =	sst s2  }
0xb: {  	[smem:$0x3FB0] =	sst s3  }
0xc: {  	[smem:$0x3FB1] =	sst s4  }
0xd: {  	[smem:$0x3FB2] =	sst s5  }
0xe: {  	[smem:$0x3FB3] =	sst s6  }
0xf: {  	[smem:$0x3FB4] =	sst s7  }
0x10: {  	[smem:$0x3FB5] =	sst s8  }
0x11: {  	[smem:$0x3FB6] =	sst s9;
	s0 =	simm.s32 @!p0 $0x0  }
0x12: {  	s1 =	sld [smem:$0x3F9C];
	s0 =	simm.s32 @p0 $0x1  }
0x13: {  	[smem:$0x3FB7] =	sst s0;
	s0 =	simm.s32 @!p1 $0x0  }
0x14: {  	s2 =	sld [smem:$0x3F9B];
	s0 =	simm.s32 @p1 $0x1  }
0x15: {  	[smem:$0x3FB8] =	sst s0;
	s0 =	simm.s32 @!p2 $0x0  }
0x16: {  	s3 =	sld [smem:$0x3FDB];
	s0 =	simm.s32 @p2 $0x1  }
0x17: {  	s4 =	simm.s32 $0x1BF5;
	[smem:$0x3FBA] =	sst s0  }
0x18: {  	s0 =	sld [smem:$0x3F9D];
	_ =	swait.ge [sflag:s4], $0x0  }
0x19: {  	s7 =	sld [smem:$0x3F9E]  }
0x1a: {  	s8 =	sadd.s32 $0xFFFFE003, lr  }
0x1b: {  	s9 =	sadd.s32 $0xFFFFFEF7, lr;
	s5 =	simm.s32 $0xFFFFFFFF;
	p2 =	slt.u32 s8, $0xFFFFF086  }
0x1c: {  	p1 =	slt.u32 s9, $0xF7A;
	s5 =	simm.s32 @!p2 $0x0  }
0x1d: {  	s5 =	simm.s32 @p1 $0x1;
	p0 =	seq.s32 s7, s2  }
0x1e: {  	s7 =	smul.u32 @!p0 $0xF7A, s2;
	p2 =	seq.s32 @!p0 s5, $0x0  }
0x1f: {  	s9 =	smul.u32 $0xF7A, s1;
	s8 =	simm.s32 @!p0 $0x1BF5;
	p2 =	por !p2, p0  }
0x20: {  	[sflag:s8] =	ssyncset.s32 @!p0 $0xFFFFF086;
	s6 =	sadd.s32 @!p0 s3, s7;
	s7 =	simm.s32 @!p0 $0x108  }
0x21: {  	s3 =	sadd.s32 s3, s9;
	s6 =	sadd.s32 @!p0 $0x88, s6;
	s7 =	simm.s32 @p2 $0x1082  }
0x22: {  	[simem:s7], [sflag:s8] =	dma.local @!p0 [hbm:s6], $0xF7A  }
0x23: {  	s9 =	sor.u32 $0xD0000000, s2;
	s6 =	simm.s32 $0x108;
	_ =	swait.ge @!p0 [sflag:s8], $0x0  }
0x24: {  	s3 =	sadd.s32 $0x88, s3;
	s6 =	simm.s32 @!p1 $0x1082;
	[sflag:s4] =	ssyncset.s32 $0xFFFFF086  }
0x25: {  	[simem:s6], [sflag:s4] =	dma.local [hbm:s3], $0xF7A  }
0x26: {  	[smem:$0x3F9E] =	sst s1;
	(tag) =	ssettag s2;
	_ =	strace s9  }
0x27: {  	s1 =	sld [smem:$0x3FAE]  }
0x28: {  	s2 =	sld [smem:$0x3FAF]  }
0x29: {  	s4 =	sld [smem:$0x3FB1]  }
0x2a: {  	p0 =	seq.s32 s5, $0x0;
	s5 =	sld [smem:$0x3FB2]  }
0x2b: {  	s6 =	sld [smem:$0x3FB3]  }
0x2c: {  	s7 =	sld [smem:$0x3FB4]  }
0x2d: {  	s3 =	simm.s32 $0x108;
	s8 =	sld [smem:$0x3FB5]  }
0x2e: {  	s3 =	simm.s32 @!p0 $0x1082;
	s9 =	sld [smem:$0x3FB6]  }
0x2f: {  	lr =	sadd.s32 s0, s3;
	s0 =	sld [smem:$0x3FAD]  }
0x30: {  	s3 =	sld [smem:$0x3FB0]  }
0x31: {  	[smem:$0x3FB9] =	sst s10  }
0x32: {  	s10 =	sld [smem:$0x3FB7];
	_ =	sdelay $0x3  }
0x33: {  	p0 =	seq.s32 s10, $0x1;
	s10 =	sld [smem:$0x3FB9];
	_ =	sdelay $0x3  }
0x34: {  	[smem:$0x3FB9] =	sst s10  }
0x35: {  	s10 =	sld [smem:$0x3FB8];
	_ =	sdelay $0x3  }
0x36: {  	p1 =	seq.s32 s10, $0x1;
	s10 =	sld [smem:$0x3FB9];
	_ =	sdelay $0x3  }
0x37: {  	[smem:$0x3FB9] =	sst s10  }
0x38: {  	s10 =	sld [smem:$0x3FBA]  }
0x39: {  	_ = 	snop;
	(pc) =	sbr.ind lr, $3  }
0x3a: {  	_ = 	snop  }
0x3b: {  	_ = 	snop  }
0x3c: {  	p2 =	seq.s32 s10, $0x1;
	s10 =	sld [smem:$0x3FB9]  }
0x3d: {  	_ =	shalt  }
0x3e: {  	_ =	shalt  }
0x3f: {  	_ =	shalt  }
0x40: {  	_ =	shalt  }
0x41: {  	_ =	shalt  }
0x42: {  	_ =	shalt  }
0x43: {  	_ =	shalt  }
0x44: {  	_ =	shalt  }
0x45: {  	_ =	shalt  }
0x46: {  	_ =	shalt  }
0x47: {  	_ =	shalt  }
0x48: {  	_ =	shalt  }
0x49: {  	_ =	shalt  }
0x4a: {  	_ =	shalt  }
0x4b: {  	_ =	shalt  }
0x4c: {  	_ =	shalt  }
0x4d: {  	_ =	shalt  }
0x4e: {  	_ =	shalt  }
0x4f: {  	_ =	shalt  }
0x50: {  	_ =	shalt  }
0x51: {  	_ =	shalt  }
0x52: {  	_ =	shalt  }
0x53: {  	_ =	shalt  }
0x54: {  	_ =	shalt  }
0x55: {  	_ =	shalt  }
0x56: {  	_ =	shalt  }
0x57: {  	_ =	shalt  }
0x58: {  	_ =	shalt  }
0x59: {  	_ =	shalt  }
0x5a: {  	_ =	shalt  }
0x5b: {  	_ =	shalt  }
0x5c: {  	_ =	shalt  }
0x5d: {  	_ =	shalt  }
0x5e: {  	_ =	shalt  }
0x5f: {  	_ =	shalt  }
0x60: {  	_ =	shalt  }
0x61: {  	_ =	shalt  }
0x62: {  	_ =	shalt  }
0x63: {  	_ =	shalt  }
0x64: {  	_ =	shalt  }
0x65: {  	_ =	shalt  }
0x66: {  	_ =	shalt  }
0x67: {  	_ =	shalt  }
0x68: {  	_ =	shalt  }
0x69: {  	_ =	shalt  }
0x6a: {  	_ =	shalt  }
0x6b: {  	_ =	shalt  }
0x6c: {  	_ =	shalt  }
0x6d: {  	_ =	shalt  }
0x6e: {  	_ =	shalt  }
0x6f: {  	_ =	shalt  }
0x70: {  	_ =	shalt  }
0x71: {  	_ =	shalt  }
0x72: {  	_ =	shalt  }
0x73: {  	_ =	shalt  }
0x74: {  	_ =	shalt  }
0x75: {  	_ =	shalt  }
0x76: {  	_ =	shalt  }
0x77: {  	_ =	shalt  }
0x78: {  	_ =	shalt  }
0x79: {  	_ =	shalt  }
0x7a: {  	_ =	shalt  }
0x7b: {  	_ =	shalt  }
0x7c: {  	_ =	shalt  }
0x7d: {  	_ =	shalt  }
0x7e: {  	_ =	shalt  }
0x7f: {  	_ =	shalt  }
0x80: {  	_ =	shalt  }
0x81: {  	_ =	shalt  }
0x82: {  	_ =	shalt  }
0x83: {  	_ =	shalt  }
0x84: {  	_ =	shalt  }
0x85: {  	_ =	shalt  }
0x86: {  	_ =	shalt  }
0x87: {  	_ =	shalt  }
.Lfunc_end0:
.L_simem_size_0:
called_computation_lowered:
.L_overlay_start_0:
0x88: {  	s2 =	sld [smem:$0x3FD9]  }
0x89: {  	s3 =	sld [smem:$0x3FFE];
	_ =	sdelay $0x1  }
0x8a: {  	s1 =	srdreg.scid  }
0x8b: {  	s0 =	sand.u32 $0x1, s1  }
0x8c: {  	s17 =	sshll.u32 s0, $0xA;
	s2 =	sadd.s32 s3, s2  }
0x8d: {  	s2 =	sadd.s32 s2, s17  }
0x8e: {  	[smem:$0x3FC5] =	sst s2  }
0x8f: {  	_ = 	snop  }
0x90: {  	s2 =	sld [smem:$0x3FC8]  }
0x91: {  	s18 =	sld [smem:$0x3FC7]  }
0x92: {  	s4 =	sld [smem:$0x3FD0];
	(tm) =	ssettm $0x1  }
0x93: {  	s5 =	sld [smem:$0x3FFB];
	_ =	sdelay $0x3  }
0x94: {  	_ =	strace s5  }
0x95: {  	s5 =	sld [smem:$0x3FFC];
	_ =	sdelay $0x3  }
0x96: {  	_ =	strace s5  }
0x97: {  	s5 =	sld [smem:$0x3FFD];
	_ =	sdelay $0x3  }
0x98: {  	_ =	strace s5  }
0x99: {  	_ =	strace $0x8FFFFFFF  }
0x9a: {  	s19 =	sld [smem:$0x3FDB];
	_ =	sdelay $0x1  }
0x9b: {  	s6 =	simm.s32 $_scs_section_size  }
0x9c: {  	s7 =	simm.s32 $_size__tile_overlayer_lowered;
	s8 =	simm.s32 $_tile_overlayer_lowered  }
0x9d: {  	s22 =	simm.s32 $0x1BFF;
	s21 =	sshll.u32 s8, $0x1;
	s5 =	sadd.s32 s6, s19  }
0x9e: {  	s9 =	simm.s32 $0x0;
	s20 =	sshll.u32 s7, $0x1;
	s7 =	sadd.s32 s21, s5  }
0x9f: {  	[timem:s9], [sflag:s22] =	dma.local [hbm:s7], s20  }
0xa0: {  	_ =	swait.ge [sflag:s22], s20  }
0xa1: {  	s6 =	ssub.s32 $0x0, s20;
	[sflag:s22] =	ssyncset.done $0x0  }
0xa2: {  	[sflag:s22] =	ssyncadd.s32 s6;
	_ =	sdelay $0x1  }
0xa3: {  	s23 =	simm.s32 $0x1B8B  }
0xa4: {  	_ =	swait.ge [sflag:s23], $0x1  }
0xa5: {  	[sflag:s23] =	ssyncset.done $0x0  }
0xa6: {  	s25 =	simm.s32 $0x1B8E;
	s24 =	sld [smem:$0x3FFE];
	[sflag:s23] =	ssyncadd.s32 $0xFFFFFFFF  }
0xa7: {  	s26 =	simm.s32 $execute0_lowered;
	[smem:$0x3FD2] =	sst s25  }
0xa8: {  	s7 =	sshll.u32 s26, $0x1;
	_ =	strace $0x80000046;
	[dreg:$0x1] =	wrdreg $0xFFFFFFFF  }
0xa9: {  	s28 =	simm.s32 $_size_execute0_lowered;
	s5 =	sadd.s32 s5, s7;
	[dreg:$0x0] =	wrdreg $0x0  }
0xaa: {  	s7 =	sshll.u32 s28, $0x1;
	[dreg:$0x2] =	wrdreg s5  }
0xab: {  	[dreg:$0x3] =	wrdreg s7  }
0xac: {  	[dreg:$0x4] =	wrdreg $0xC0  }
0xad: {  	_ =	task [dreg:s9], $0x5FFFF  }
0xae: {  	[dreg:$0x1] =	wrdreg $0xFFFFFFFF  }
0xaf: {  	[dreg:$0x0] =	wrdreg $0x60  }
0xb0: {  	[dreg:$0x2] =	wrdreg s24  }
0xb1: {  	[dreg:$0x3] =	wrdreg s2  }
0xb2: {  	[dreg:$0x4] =	wrdreg s18  }
0xb3: {  	[dreg:$0x5] =	wrdreg s4  }
0xb4: {  	[dreg:$0x6] =	wrdreg $0x9  }
0xb5: {  	_ =	task.clear_ibuf [dreg:s9], $0x7FFFF;
	_ =	strace $0x90000046  }
0xb6: {  	s29 =	simm.s32 $0x9;
	_ =	strace $0x80000048  }
0xb7: {  	_ =	swait.ge [sflag:s29], $0x1  }
0xb8: {  	[sflag:s29] =	ssyncadd.s32 $0xFFFFFFFF  }
0xb9: {  	_ =	strace $0x90000048  }
0xba: {  	_ =	sfence  }
0xbb: {  	s30 =	sld [smem:$0x0];
	_ =	sdelay $0x2  }
0xbc: {  	s31 =	sshll.u32 s1, $0xD;
	s1 =	sshrl.u32 s1, $0x2  }
0xbd: {  	s3 =	sand.u32 $0x4000, s31;
	s1 =	sadd.s32 s1, s30  }
0xbe: {  	s0 =	sor.u32 s3, s0;
	s1 =	sshll.u32 s1, $0x11  }
0xbf: {  	s0 =	sor.u32 s1, s0  }
0xc0: {  	s0 =	sadd.s32 $0x8F2B, s0  }
0xc1: {  	[sflag:s0] =	ssyncadd.remote.s32 $0x1  }
0xc2: {  	_ =	sfence.sel $0xFFFF  }
0xc3: {  	[dreg:$0x0] =	wrdreg $0xFFFFFFFF;
	(pc) =	sbr.abs _section_cstart, $3  }
0xc4: {  	[dreg:$0x1] =	wrdreg $0xFFFFFFFF  }
0xc5: {  	_ =	task.clear_ibuf [dreg:s9], $0x2FFFF;
	_ =	strace $0x9FFFFFFF  }
0xc6: {  	(tm) =	ssettm $0x7FFFFFFF  }
0xc7: {  	_ =	shalt  }
tec
execute0_lowered:
.L_overlay_start_1:
0x0: {  	(tag) =	ssettag $0x1  }
0x1: {  	s4 =	rddreg [dreg:$0x0]  }
0x2: {  	s2 =	rddreg [dreg:$0x1]  }
0x3: {  	s6 =	rddreg [dreg:$0x2];
	s0 =	srdreg.scid  }
0x4: {  	s7 =	rddreg [dreg:$0x3];
	s1 =	stileid.u32;
	s3 =	simm.s32 $0x0  }
0x5: {  	s11 =	simm.s32 $0x400;
	s12 =	simm.s32 $0x1;
	s13 =	simm.s32 $0x200  }
0x6: {  	s14 =	simm.s32 $0x2;
	s15 =	simm.s32 $0x300;
	s16 =	simm.s32 $0x3  }
0x7: {  	s17 =	simm.s32 $0x4;
	s18 =	simm.s32 $0x5;
	s19 =	simm.s32 $0x6  }
0x8: {  	s5 =	sand.u32 $0x1, s0;
	s0 =	rddreg [dreg:$0x4];
	s8 =	sshll.u32 s1, $0x7  }
0x9: {  	[smem:$0x7FF] =	sst s3;
	s9 =	sshll.u32 s5, $0x6;
	s5 =	ssub.s32 $0x2, s5  }
0xa: {  	_ =	strace $0x80000047;
	s8 =	sor.u32 s9, s8;
	s31 =	sshrl.u32 s5, $0x1  }
0xb: {  	s9 =	sadd.s32 s8, s4;
	s10 =	ssub.s32 s5, s31;
	s6 =	sadd.s32 s6, s8  }
0xc: {  	s7 =	sadd.s32 s7, s8;
	s4 =	sadd.s32 $0x400, s9;
	s5 =	sadd.s32 $0x410, s9  }
0xd: {  	s8 =	smax.u32 s10, $0x1;
	s9 =	simm.s32 $0x80;
	s10 =	simm.s32 $0x100  }
.LBB2_1:
0xe: {  	[tilespmem:s3], [sflag:$0x1] =	stream.strided.gather [hbm4b:s4+s9], $0x100, s10, s9, $0x38;
	[tilespmem:$0x600] =	vst v63  }
0xf: {  	_ = 	snop  }
0x10: {  	[tilespmem:s10], [sflag:$0x2] =	stream.strided.gather [hbm4b:s5+s9], $0x100, s10, s9, $0x38;
	[tilespmem:$0x600] =	vst v63  }
0x11: {  	_ = 	snop  }
0x12: {  	[tilespmem:s11], [sflag:$0x3] =	stream.linear.gather [hbm4b:s6+s3], $0x200, $0x38;
	[tilespmem:$0x600] =	vst v63  }
0x13: {  	_ =	swait.ge [sflag:s12], $0x100  }
0x14: {  	[sflag:s12] =	ssyncset.done $0x0  }
0x15: {  	[sflag:s12] =	ssyncadd.s32 $0xFFFFFF00  }
0x16: {  	[tilespmem:s13], [sflag:$0x4] =	stream.indirect.gather [hbm4b:s2+s10], $0x1, s3, s10, $0xb8;
	[tilespmem:$0x600] =	vst v63  }
0x17: {  	_ =	swait.ge [sflag:s14], $0x100  }
0x18: {  	[sflag:s14] =	ssyncset.done $0x0  }
0x19: {  	[sflag:s14] =	ssyncadd.s32 $0xFFFFFF00  }
0x1a: {  	[tilespmem:s15], [sflag:$0x5] =	stream.indirect.gather [hbm4b:s2+s10], $0x1, s10, s10, $0xb8;
	[tilespmem:$0x600] =	vst v63  }
0x1b: {  	_ =	swait.ge [sflag:s16], $0x200  }
0x1c: {  	[sflag:s16] =	ssyncset.done $0x0  }
0x1d: {  	[sflag:s16] =	ssyncadd.s32 $0xFFFFFE00  }
0x1e: {  	_ =	swait.ge [sflag:s17], $0x100  }
0x1f: {  	[sflag:s17] =	ssyncset.done $0x0  }
0x20: {  	[sflag:s17] =	ssyncadd.s32 $0xFFFFFF00  }
0x21: {  	v0 =	vld [tilespmem:$0x200]  }
0x22: {  	v1 =	vld [tilespmem:$0x400]  }
0x23: {  	v2 =	vld [tilespmem:$0x210]  }
0x24: {  	v3 =	vld [tilespmem:$0x410]  }
0x25: {  	v4 =	vld [tilespmem:$0x220]  }
0x26: {  	v5 =	vld [tilespmem:$0x420]  }
0x27: {  	v6 =	vld [tilespmem:$0x230]  }
0x28: {  	v7 =	vld [tilespmem:$0x430]  }
0x29: {  	v8 =	vld [tilespmem:$0x240]  }
0x2a: {  	v9 =	vld [tilespmem:$0x440]  }
0x2b: {  	v10 =	vld [tilespmem:$0x250]  }
0x2c: {  	v11 =	vld [tilespmem:$0x450]  }
0x2d: {  	v12 =	vld [tilespmem:$0x260]  }
0x2e: {  	v13 =	vld [tilespmem:$0x460]  }
0x2f: {  	v14 =	vld [tilespmem:$0x270]  }
0x30: {  	v15 =	vld [tilespmem:$0x470]  }
0x31: {  	v16 =	vld [tilespmem:$0x280]  }
0x32: {  	v17 =	vld [tilespmem:$0x480]  }
0x33: {  	v18 =	vld [tilespmem:$0x290]  }
0x34: {  	v19 =	vld [tilespmem:$0x490]  }
0x35: {  	v20 =	vld [tilespmem:$0x2A0]  }
0x36: {  	v35 =	vld [tilespmem:$0x4A0];
	v0 =	vadd.f32 v1, v0  }
0x37: {  	v36 =	vld [tilespmem:$0x2B0];
	v2 =	vadd.f32 v3, v2  }
0x38: {  	v38 =	vld [tilespmem:$0x4B0];
	v37 =	vadd.f32 v5, v4;
	[tilespmem:$0x200] =	vst v0  }
0x39: {  	v40 =	vld [tilespmem:$0x2C0];
	v39 =	vadd.f32 v7, v6;
	[tilespmem:$0x210] =	vst v2  }
0x3a: {  	v42 =	vld [tilespmem:$0x4C0];
	v41 =	vadd.f32 v9, v8;
	[tilespmem:$0x220] =	vst v37  }
0x3b: {  	v44 =	vld [tilespmem:$0x2D0];
	v43 =	vadd.f32 v11, v10;
	[tilespmem:$0x230] =	vst v39  }
0x3c: {  	v46 =	vld [tilespmem:$0x4D0];
	v45 =	vadd.f32 v13, v12;
	[tilespmem:$0x240] =	vst v41  }
0x3d: {  	v48 =	vld [tilespmem:$0x2E0];
	v47 =	vadd.f32 v15, v14;
	[tilespmem:$0x250] =	vst v43  }
0x3e: {  	v50 =	vld [tilespmem:$0x4E0];
	v49 =	vadd.f32 v17, v16;
	[tilespmem:$0x260] =	vst v45  }
0x3f: {  	v52 =	vld [tilespmem:$0x2F0];
	v51 =	vadd.f32 v19, v18;
	[tilespmem:$0x270] =	vst v47  }
0x40: {  	v54 =	vld [tilespmem:$0x4F0];
	v53 =	vadd.f32 v35, v20;
	[tilespmem:$0x280] =	vst v49  }
0x41: {  	v55 =	vadd.f32 v38, v36;
	[tilespmem:$0x290] =	vst v51  }
0x42: {  	v56 =	vadd.f32 v42, v40;
	[tilespmem:$0x2A0] =	vst v53  }
0x43: {  	v57 =	vadd.f32 v46, v44;
	[tilespmem:$0x2B0] =	vst v55  }
0x44: {  	v58 =	vadd.f32 v50, v48;
	[tilespmem:$0x2C0] =	vst v56  }
0x45: {  	v1 =	vadd.f32 v54, v52;
	[tilespmem:$0x2D0] =	vst v57  }
0x46: {  	[tilespmem:$0x2E0] =	vst v58  }
0x47: {  	[tilespmem:$0x2F0] =	vst v1  }
0x48: {  	_ =	swait.ge [sflag:s18], $0x100  }
0x49: {  	[sflag:s18] =	ssyncset.done $0x0  }
0x4a: {  	[sflag:s18] =	ssyncadd.s32 $0xFFFFFF00  }
0x4b: {  	v59 =	vld [tilespmem:$0x300]  }
0x4c: {  	v60 =	vld [tilespmem:$0x500]  }
0x4d: {  	v61 =	vld [tilespmem:$0x310]  }
0x4e: {  	v62 =	vld [tilespmem:$0x510]  }
0x4f: {  	v63 =	vld [tilespmem:$0x320]  }
0x50: {  	v24 =	vld [tilespmem:$0x520]  }
0x51: {  	v25 =	vld [tilespmem:$0x330]  }
0x52: {  	v26 =	vld [tilespmem:$0x530]  }
0x53: {  	v27 =	vld [tilespmem:$0x340]  }
0x54: {  	v28 =	vld [tilespmem:$0x540]  }
0x55: {  	v29 =	vld [tilespmem:$0x350]  }
0x56: {  	v30 =	vld [tilespmem:$0x550]  }
0x57: {  	v31 =	vld [tilespmem:$0x360]  }
0x58: {  	v32 =	vld [tilespmem:$0x560]  }
0x59: {  	v33 =	vld [tilespmem:$0x370]  }
0x5a: {  	v34 =	vld [tilespmem:$0x570]  }
0x5b: {  	v35 =	vld [tilespmem:$0x380]  }
0x5c: {  	v36 =	vld [tilespmem:$0x580]  }
0x5d: {  	v37 =	vld [tilespmem:$0x390]  }
0x5e: {  	v38 =	vld [tilespmem:$0x590]  }
0x5f: {  	v39 =	vld [tilespmem:$0x3A0]  }
0x60: {  	v40 =	vld [tilespmem:$0x5A0];
	v0 =	vadd.f32 v60, v59  }
0x61: {  	v41 =	vld [tilespmem:$0x3B0];
	v2 =	vadd.f32 v62, v61  }
0x62: {  	v43 =	vld [tilespmem:$0x5B0];
	v42 =	vadd.f32 v24, v63;
	[tilespmem:$0x300] =	vst v0  }
0x63: {  	v45 =	vld [tilespmem:$0x3C0];
	v44 =	vadd.f32 v26, v25;
	[tilespmem:$0x310] =	vst v2  }
0x64: {  	v47 =	vld [tilespmem:$0x5C0];
	v46 =	vadd.f32 v28, v27;
	[tilespmem:$0x320] =	vst v42  }
0x65: {  	v49 =	vld [tilespmem:$0x3D0];
	v48 =	vadd.f32 v30, v29;
	[tilespmem:$0x330] =	vst v44  }
0x66: {  	v51 =	vld [tilespmem:$0x5D0];
	v50 =	vadd.f32 v32, v31;
	[tilespmem:$0x340] =	vst v46  }
0x67: {  	v53 =	vld [tilespmem:$0x3E0];
	v52 =	vadd.f32 v34, v33;
	[tilespmem:$0x350] =	vst v48  }
0x68: {  	v55 =	vld [tilespmem:$0x5E0];
	v54 =	vadd.f32 v36, v35;
	[tilespmem:$0x360] =	vst v50  }
0x69: {  	v57 =	vld [tilespmem:$0x3F0];
	v56 =	vadd.f32 v38, v37;
	[tilespmem:$0x370] =	vst v52  }
0x6a: {  	v58 =	vadd.f32 v40, v39;
	v59 =	vld [tilespmem:$0x5F0];
	[tilespmem:$0x380] =	vst v54  }
0x6b: {  	v60 =	vadd.f32 v43, v41;
	[tilespmem:$0x390] =	vst v56  }
0x6c: {  	v61 =	vadd.f32 v47, v45;
	[tilespmem:$0x3A0] =	vst v58  }
0x6d: {  	v62 =	vadd.f32 v51, v49;
	[tilespmem:$0x3B0] =	vst v60  }
0x6e: {  	v63 =	vadd.f32 v55, v53;
	[tilespmem:$0x3C0] =	vst v61  }
0x6f: {  	[tilespmem:$0x3D0] =	vst v62;
	v1 =	vadd.f32 v59, v57  }
0x70: {  	p0 =	sne.s32 s8, $0x1;
	[tilespmem:$0x3E0] =	vst v63  }
.Ltmp0:
0x71: {  	[tilespmem:$0x3F0] =	vst v1;
	(pc) =	sbr.rel @p0 .LBB2_1-.Ltmp0, $4  }
0x72: {  	[hbm4b:s7+s3] =	stream.linear.scatter [tilespmem:s13], [sflag:$0x6], $0x200, $0x38;
	[tilespmem:$0x600] =	vst v63  }
0x73: {  	_ =	swait.ge [sflag:s19], $0x200  }
0x74: {  	[sflag:s19] =	ssyncset.done $0x0  }
0x75: {  	s8 =	sadd.s32 $0xFFFFFFFF, s8;
	[sflag:s19] =	ssyncadd.s32 $0xFFFFFE00  }
0x76: {  	_ =	sfence.sel $0x180000  }
0x77: {  	[bflag:$0x0] =	sbarrier.arrive $0xFFFF  }
0x78: {  	p0 =	sne.s32 s1, $0x0;
	_ =	strace $0x90000047  }
0x79: {  	s0 =	sadd.s32 @!p0 $0x100000, s0;
	[bflag:$0x2] =	sbarrier.arrive $0xFFFF  }
0x7a: {  	[sflag:s0] =	ssyncadd.tile.s32 @!p0 $0x1;
	_ =	shalt  }
.Lfunc_end2:
_tile_overlayer_lowered:
.L_overlay_start_2:
0x7b: {  	(tag) =	ssettag $0x2  }
0x7c: {  	s0 =	rddreg [dreg:$0x0];
	s2 =	stileid.u32  }
0x7d: {  	s1 =	rddreg [dreg:$0x1];
	p0 =	sne.s32 s2, $0x0  }
0x7e: {  	s3 =	rddreg [dreg:$0x2];
	[bflag:$0x3] =	sbarrier.arrive $0xFFFF;
	s2 =	simm.s32 @!p0 $0x1C06  }
0x7f: {  	[timem:s3], [sflag:s2] =	dma.local @!p0 [hbm:s0], s1  }
0x80: {  	s0 =	simm.s32 @!p0 $0x6  }
0x81: {  	_ =	swait.ge @!p0 [sflag:s0], s1  }
0x82: {  	s1 =	ssub.s32 @!p0 $0x0, s1;
	[sflag:s0] =	ssyncset.done @!p0 $0x0  }
0x83: {  	[sflag:s0] =	ssyncadd.s32 @!p0 s1  }
0x84: {  	[bflag:$0x3] =	sbarrier.arrive $0xFFFF  }
0x85: {  	_ =	shalt  }

</sc_bundles>
